<compile_context>
chip_gen: v7x
topology: tpu7x:2x2x1
jax: 0.10.2.dev20260603
libtpu: 0.0.44.dev20260713+nightly
codegen_flags: <defaults>
</compile_context>

<pallas_src>
import jax
import jax.numpy as jnp
from jax import lax
from jax.experimental import pallas as pl
from jax.experimental.pallas import tpu as pltpu
from jax.experimental.pallas import tpu_sc as plsc

VOCAB = 1_000_000
EMBED = 64
SEQ = 200
BATCH = 4096
B = BATCH * SEQ

_info = plsc.get_sparse_core_info()
NC, NS = _info.num_cores, _info.num_subcores
NW = NC * NS
B_PER_W = B // NW
CHUNK = 400
NCHUNK = B_PER_W // CHUNK
NBUF = 4
NQUAD = NCHUNK // NBUF


def _gather_body(table_hbm, x_hbm, out_hbm, idx_v, b0, b1, b2, b3,
                 gs0, gs1, gs2, gs3, ss0, ss1, ss2, ss3):
    wid = lax.axis_index("s") * NC + lax.axis_index("c")
    base = wid * B_PER_W
    pltpu.sync_copy(x_hbm.at[pl.ds(base, B_PER_W)], idx_v)

    bufs = (b0, b1, b2, b3)
    gsems = (gs0, gs1, gs2, gs3)
    ssems = (ss0, ss1, ss2, ss3)

    def gather_start(g, buf, sem):
        pltpu.async_copy(
            table_hbm.at[idx_v.at[pl.ds(g * CHUNK, CHUNK)]], buf, sem
        )

    def gather_wait(g, buf, sem):
        pltpu.make_async_copy(
            table_hbm.at[idx_v.at[pl.ds(g * CHUNK, CHUNK)]], buf, sem
        ).wait()

    def scatter_start(g, buf, sem):
        pltpu.async_copy(
            buf,
            out_hbm.at[pl.ds(base + g * CHUNK, CHUNK), pl.ds(0, EMBED)],
            sem,
        )

    def scatter_wait(g, buf, sem):
        pltpu.make_async_copy(
            buf,
            out_hbm.at[pl.ds(base + g * CHUNK, CHUNK), pl.ds(0, EMBED)],
            sem,
        ).wait()

    for k in range(NBUF):
        gather_start(k, bufs[k], gsems[k])

    def quad(t, carry):
        g0 = t * NBUF
        for k in range(NBUF):
            gather_wait(g0 + k, bufs[k], gsems[k])
            scatter_start(g0 + k, bufs[k], ssems[k])
        for k in range(NBUF):
            scatter_wait(g0 + k, bufs[k], ssems[k])
            gather_start(g0 + NBUF + k, bufs[k], gsems[k])
        return carry

    lax.fori_loop(0, NQUAD - 1, quad, 0)

    last = (NQUAD - 1) * NBUF
    for k in range(NBUF):
        gather_wait(last + k, bufs[k], gsems[k])
        scatter_start(last + k, bufs[k], ssems[k])
    for k in range(NBUF):
        scatter_wait(last + k, bufs[k], ssems[k])


@jax.jit
def _lookup(x_flat, table_lin):
    mesh = plsc.VectorSubcoreMesh(core_axis_name="c", subcore_axis_name="s")
    return pl.kernel(
        _gather_body,
        out_type=jax.ShapeDtypeStruct((B, 2 * EMBED), jnp.float32),
        mesh=mesh,
        scratch_types=[
            pltpu.VMEM((B_PER_W,), jnp.int32),
            pltpu.VMEM((CHUNK, EMBED), jnp.float32),
            pltpu.VMEM((CHUNK, EMBED), jnp.float32),
            pltpu.VMEM((CHUNK, EMBED), jnp.float32),
            pltpu.VMEM((CHUNK, EMBED), jnp.float32),
            pltpu.SemaphoreType.DMA,
            pltpu.SemaphoreType.DMA,
            pltpu.SemaphoreType.DMA,
            pltpu.SemaphoreType.DMA,
            pltpu.SemaphoreType.DMA,
            pltpu.SemaphoreType.DMA,
            pltpu.SemaphoreType.DMA,
            pltpu.SemaphoreType.DMA,
        ],
        compiler_params=pltpu.CompilerParams(use_tc_tiling_on_sc=False),
    )(table_lin, x_flat)


def kernel(x, table):
    out_p = _lookup(x.reshape(B), table)
    return out_p[:, :EMBED].reshape(BATCH, SEQ, EMBED)

# --- scband reference (transcript-rebuilt; emitter-appended) ---
"""Pipeline reference for scband-embedding-layer-18227841204654 (READ-ONLY COPY).

The authoritative reference and input builder live on the scoring server;
editing this copy changes nothing except your own understanding.
"""

import jax, jax.numpy as jnp
import numpy as np

VOCAB = 1000000
EMBED = 64

def setup_inputs(seed: int = 0) -> dict:
    key = jax.random.key(seed)
    k1, k2 = jax.random.split(key)
    x = jax.random.randint(k1, (4096, 200), 0, VOCAB, dtype=jnp.int64 if jax.config.jax_enable_x64 else jnp.int32)
    table = jax.random.normal(k2, (VOCAB, EMBED), dtype=jnp.float32)
    return {"x": x, "table": table}

def reference(x, table):
    # nn.Embedding forward: gather rows of the embedding table
    return jnp.take(table, x, axis=0)

if __name__ == "__main__":
    import jax
    _d = setup_inputs()
    print(jax.jit(kernel)(*tuple(_d.values())))

</pallas_src>

<mosaic_0001>
#map = affine_map<(d0, d1) -> (0, 0)>
#map1 = affine_map<(d0, d1) -> (0)>
module attributes {stable_mosaic.version = 14 : i64} {
  func.func @_gather_body(%arg0: i32, %arg1: i32, %arg2: memref<1000000x64xf32, #tpu.memory_space<hbm>>, %arg3: memref<819200xi32, #tpu.memory_space<hbm>>, %arg4: memref<819200x128xf32, #tpu.memory_space<hbm>>, %arg5: memref<25600xi32, #tpu.memory_space<vmem>>, %arg6: memref<400x64xf32, #tpu.memory_space<vmem>>, %arg7: memref<400x64xf32, #tpu.memory_space<vmem>>, %arg8: memref<400x64xf32, #tpu.memory_space<vmem>>, %arg9: memref<400x64xf32, #tpu.memory_space<vmem>>, %arg10: memref<!tpu.dma_semaphore, #tpu.memory_space<semaphore_mem>>, %arg11: memref<!tpu.dma_semaphore, #tpu.memory_space<semaphore_mem>>, %arg12: memref<!tpu.dma_semaphore, #tpu.memory_space<semaphore_mem>>, %arg13: memref<!tpu.dma_semaphore, #tpu.memory_space<semaphore_mem>>, %arg14: memref<!tpu.dma_semaphore, #tpu.memory_space<semaphore_mem>>, %arg15: memref<!tpu.dma_semaphore, #tpu.memory_space<semaphore_mem>>, %arg16: memref<!tpu.dma_semaphore, #tpu.memory_space<semaphore_mem>>, %arg17: memref<!tpu.dma_semaphore, #tpu.memory_space<semaphore_mem>>) attributes {dimension_semantics = [#tpu.dimension_semantics<core_parallel>, #tpu.dimension_semantics<subcore_parallel>], iteration_bounds = array<i64: 2, 16>, scalar_prefetch = 0 : i64, scratch_operands = 13 : i64, tpu.core_type = #tpu.core_type<sc_vector_subcore>, window_params = [{transform_indices = #map}, {transform_indices = #map1}, {transform_indices = #map}]} {
    %mul3A = arith.constant 2 : i32
    %mul3A_0 = arith.muli %arg1, %mul3A : i32
    %add3A = arith.addi %mul3A_0, %arg0 : i32
    %mul3A_1 = arith.constant 25600 : i32
    %mul3A_2 = arith.muli %add3A, %mul3A_1 : i32
    "tpu.region"() ({
      %run_scoped3A = tpu.sem_alloc : memref<!tpu.dma_semaphore, #tpu.memory_space<semaphore_mem>>
      %dma_start3A_94 = tpu.memref_slice %arg3[%mul3A_2] : memref<819200xi32, #tpu.memory_space<hbm>> -> memref<25600xi32, #tpu.memory_space<hbm>>
      %dma_start3A_95 = tpu.memref_slice %arg3[%mul3A_2] : memref<819200xi32, #tpu.memory_space<hbm>> -> memref<25600xi32, #tpu.memory_space<hbm>>
      tpu.enqueue_dma source(%dma_start3A_95 : memref<25600xi32, #tpu.memory_space<hbm>>) target(%arg5 : memref<25600xi32, #tpu.memory_space<vmem>>) target_semaphore(%run_scoped3A : memref<!tpu.dma_semaphore, #tpu.memory_space<semaphore_mem>>)
      %dma_wait3A_96 = tpu.memref_slice %arg3[%mul3A_2] : memref<819200xi32, #tpu.memory_space<hbm>> -> memref<25600xi32, #tpu.memory_space<hbm>>
      %dma_wait3A_97 = tpu.memref_slice %arg3[%mul3A_2] : memref<819200xi32, #tpu.memory_space<hbm>> -> memref<25600xi32, #tpu.memory_space<hbm>>
      tpu.wait_dma2 semaphore(%run_scoped3A : memref<!tpu.dma_semaphore, #tpu.memory_space<semaphore_mem>>) src(%dma_wait3A_97 : memref<25600xi32, #tpu.memory_space<hbm>>) dst(%arg5 : memref<25600xi32, #tpu.memory_space<vmem>>)
      tpu.yield
    }) : () -> ()
    %dma_start3A = arith.constant 0 : i32
    %dma_start3A_3 = tpu.memref_slice %arg5[%dma_start3A] : memref<25600xi32, #tpu.memory_space<vmem>> -> memref<400xi32, #tpu.memory_space<vmem>>
    %dma_start3A_4 = arith.constant 0 : i32
    %dma_start3A_5 = arith.constant 0 : i32
    %dma_start3A_6 = tpu.memref_slice %arg2[%dma_start3A_4, %dma_start3A_5] : memref<1000000x64xf32, #tpu.memory_space<hbm>> -> memref<1000000x64xf32, #tpu.memory_space<hbm>>
    tpu.enqueue_indirect_dma source(%dma_start3A_6 : memref<1000000x64xf32, #tpu.memory_space<hbm>>) target(%arg6 : memref<400x64xf32, #tpu.memory_space<vmem>>) offsets(%dma_start3A_3 : memref<400xi32, #tpu.memory_space<vmem>>) semaphore(%arg10 : memref<!tpu.dma_semaphore, #tpu.memory_space<semaphore_mem>>)
    %dma_start3A_7 = arith.constant 400 : i32
    %dma_start3A_8 = tpu.memref_slice %arg5[%dma_start3A_7] : memref<25600xi32, #tpu.memory_space<vmem>> -> memref<400xi32, #tpu.memory_space<vmem>>
    %dma_start3A_9 = arith.constant 0 : i32
    %dma_start3A_10 = arith.constant 0 : i32
    %dma_start3A_11 = tpu.memref_slice %arg2[%dma_start3A_9, %dma_start3A_10] : memref<1000000x64xf32, #tpu.memory_space<hbm>> -> memref<1000000x64xf32, #tpu.memory_space<hbm>>
    tpu.enqueue_indirect_dma source(%dma_start3A_11 : memref<1000000x64xf32, #tpu.memory_space<hbm>>) target(%arg7 : memref<400x64xf32, #tpu.memory_space<vmem>>) offsets(%dma_start3A_8 : memref<400xi32, #tpu.memory_space<vmem>>) semaphore(%arg11 : memref<!tpu.dma_semaphore, #tpu.memory_space<semaphore_mem>>)
    %dma_start3A_12 = arith.constant 800 : i32
    %dma_start3A_13 = tpu.memref_slice %arg5[%dma_start3A_12] : memref<25600xi32, #tpu.memory_space<vmem>> -> memref<400xi32, #tpu.memory_space<vmem>>
    %dma_start3A_14 = arith.constant 0 : i32
    %dma_start3A_15 = arith.constant 0 : i32
    %dma_start3A_16 = tpu.memref_slice %arg2[%dma_start3A_14, %dma_start3A_15] : memref<1000000x64xf32, #tpu.memory_space<hbm>> -> memref<1000000x64xf32, #tpu.memory_space<hbm>>
    tpu.enqueue_indirect_dma source(%dma_start3A_16 : memref<1000000x64xf32, #tpu.memory_space<hbm>>) target(%arg8 : memref<400x64xf32, #tpu.memory_space<vmem>>) offsets(%dma_start3A_13 : memref<400xi32, #tpu.memory_space<vmem>>) semaphore(%arg12 : memref<!tpu.dma_semaphore, #tpu.memory_space<semaphore_mem>>)
    %dma_start3A_17 = arith.constant 1200 : i32
    %dma_start3A_18 = tpu.memref_slice %arg5[%dma_start3A_17] : memref<25600xi32, #tpu.memory_space<vmem>> -> memref<400xi32, #tpu.memory_space<vmem>>
    %dma_start3A_19 = arith.constant 0 : i32
    %dma_start3A_20 = arith.constant 0 : i32
    %dma_start3A_21 = tpu.memref_slice %arg2[%dma_start3A_19, %dma_start3A_20] : memref<1000000x64xf32, #tpu.memory_space<hbm>> -> memref<1000000x64xf32, #tpu.memory_space<hbm>>
    tpu.enqueue_indirect_dma source(%dma_start3A_21 : memref<1000000x64xf32, #tpu.memory_space<hbm>>) target(%arg9 : memref<400x64xf32, #tpu.memory_space<vmem>>) offsets(%dma_start3A_18 : memref<400xi32, #tpu.memory_space<vmem>>) semaphore(%arg13 : memref<!tpu.dma_semaphore, #tpu.memory_space<semaphore_mem>>)
    %scan3A = arith.constant 0 : i32
    %scan3A_22 = arith.constant 0 : i32
    %scan3A_23 = arith.constant 15 : i32
    %scan3A_24 = arith.addi %scan3A_22, %scan3A_23 : i32
    %scan3A_25 = arith.constant 1 : i32
    scf.for %scan3A_94 = %scan3A_22 to %scan3A_24 step %scan3A_25  : i32 {
      %mul3A_95 = arith.constant 4 : i32
      %mul3A_96 = arith.muli %scan3A_94, %mul3A_95 : i32
      %add3A_97 = arith.constant 0 : i32
      %add3A_98 = arith.addi %mul3A_96, %add3A_97 : i32
      %mul3A_99 = arith.constant 400 : i32
      %mul3A_100 = arith.muli %add3A_98, %mul3A_99 : i32
      %dma_wait3A_101 = tpu.memref_slice %arg5[%mul3A_100] : memref<25600xi32, #tpu.memory_space<vmem>> -> memref<400xi32, #tpu.memory_space<vmem>>
      %dma_wait3A_102 = arith.constant 0 : i32
      %dma_wait3A_103 = arith.constant 0 : i32
      %dma_wait3A_104 = tpu.memref_slice %arg2[%dma_wait3A_102, %dma_wait3A_103] : memref<1000000x64xf32, #tpu.memory_space<hbm>> -> memref<1000000x64xf32, #tpu.memory_space<hbm>>
      tpu.wait_indirect_dma semaphore(%arg10 : memref<!tpu.dma_semaphore, #tpu.memory_space<semaphore_mem>>) src(%dma_wait3A_104 : memref<1000000x64xf32, #tpu.memory_space<hbm>>) dst(%arg6 : memref<400x64xf32, #tpu.memory_space<vmem>>)
      %add3A_105 = arith.constant 0 : i32
      %add3A_106 = arith.addi %mul3A_96, %add3A_105 : i32
      %mul3A_107 = arith.constant 400 : i32
      %mul3A_108 = arith.muli %add3A_106, %mul3A_107 : i32
      %add3A_109 = arith.addi %mul3A_2, %mul3A_108 : i32
      %dma_start3A_110 = arith.constant 0 : i32
      %dma_start3A_111 = tpu.memref_slice %arg4[%add3A_109, %dma_start3A_110] : memref<819200x128xf32, #tpu.memory_space<hbm>> -> memref<400x64xf32, #tpu.memory_space<hbm>>
      %dma_start3A_112 = arith.constant 0 : i32
      %dma_start3A_113 = tpu.memref_slice %arg4[%add3A_109, %dma_start3A_112] : memref<819200x128xf32, #tpu.memory_space<hbm>> -> memref<400x64xf32, #tpu.memory_space<hbm>>
      tpu.enqueue_dma source(%arg6 : memref<400x64xf32, #tpu.memory_space<vmem>>) target(%dma_start3A_113 : memref<400x64xf32, #tpu.memory_space<hbm>>) target_semaphore(%arg14 : memref<!tpu.dma_semaphore, #tpu.memory_space<semaphore_mem>>)
      %add3A_114 = arith.constant 1 : i32
      %add3A_115 = arith.addi %mul3A_96, %add3A_114 : i32
      %mul3A_116 = arith.constant 400 : i32
      %mul3A_117 = arith.muli %add3A_115, %mul3A_116 : i32
      %dma_wait3A_118 = tpu.memref_slice %arg5[%mul3A_117] : memref<25600xi32, #tpu.memory_space<vmem>> -> memref<400xi32, #tpu.memory_space<vmem>>
      %dma_wait3A_119 = arith.constant 0 : i32
      %dma_wait3A_120 = arith.constant 0 : i32
      %dma_wait3A_121 = tpu.memref_slice %arg2[%dma_wait3A_119, %dma_wait3A_120] : memref<1000000x64xf32, #tpu.memory_space<hbm>> -> memref<1000000x64xf32, #tpu.memory_space<hbm>>
      tpu.wait_indirect_dma semaphore(%arg11 : memref<!tpu.dma_semaphore, #tpu.memory_space<semaphore_mem>>) src(%dma_wait3A_121 : memref<1000000x64xf32, #tpu.memory_space<hbm>>) dst(%arg7 : memref<400x64xf32, #tpu.memory_space<vmem>>)
      %add3A_122 = arith.constant 1 : i32
      %add3A_123 = arith.addi %mul3A_96, %add3A_122 : i32
      %mul3A_124 = arith.constant 400 : i32
      %mul3A_125 = arith.muli %add3A_123, %mul3A_124 : i32
      %add3A_126 = arith.addi %mul3A_2, %mul3A_125 : i32
      %dma_start3A_127 = arith.constant 0 : i32
      %dma_start3A_128 = tpu.memref_slice %arg4[%add3A_126, %dma_start3A_127] : memref<819200x128xf32, #tpu.memory_space<hbm>> -> memref<400x64xf32, #tpu.memory_space<hbm>>
      %dma_start3A_129 = arith.constant 0 : i32
      %dma_start3A_130 = tpu.memref_slice %arg4[%add3A_126, %dma_start3A_129] : memref<819200x128xf32, #tpu.memory_space<hbm>> -> memref<400x64xf32, #tpu.memory_space<hbm>>
      tpu.enqueue_dma source(%arg7 : memref<400x64xf32, #tpu.memory_space<vmem>>) target(%dma_start3A_130 : memref<400x64xf32, #tpu.memory_space<hbm>>) target_semaphore(%arg15 : memref<!tpu.dma_semaphore, #tpu.memory_space<semaphore_mem>>)
      %add3A_131 = arith.constant 2 : i32
      %add3A_132 = arith.addi %mul3A_96, %add3A_131 : i32
      %mul3A_133 = arith.constant 400 : i32
      %mul3A_134 = arith.muli %add3A_132, %mul3A_133 : i32
      %dma_wait3A_135 = tpu.memref_slice %arg5[%mul3A_134] : memref<25600xi32, #tpu.memory_space<vmem>> -> memref<400xi32, #tpu.memory_space<vmem>>
      %dma_wait3A_136 = arith.constant 0 : i32
      %dma_wait3A_137 = arith.constant 0 : i32
      %dma_wait3A_138 = tpu.memref_slice %arg2[%dma_wait3A_136, %dma_wait3A_137] : memref<1000000x64xf32, #tpu.memory_space<hbm>> -> memref<1000000x64xf32, #tpu.memory_space<hbm>>
      tpu.wait_indirect_dma semaphore(%arg12 : memref<!tpu.dma_semaphore, #tpu.memory_space<semaphore_mem>>) src(%dma_wait3A_138 : memref<1000000x64xf32, #tpu.memory_space<hbm>>) dst(%arg8 : memref<400x64xf32, #tpu.memory_space<vmem>>)
      %add3A_139 = arith.constant 2 : i32
      %add3A_140 = arith.addi %mul3A_96, %add3A_139 : i32
      %mul3A_141 = arith.constant 400 : i32
      %mul3A_142 = arith.muli %add3A_140, %mul3A_141 : i32
      %add3A_143 = arith.addi %mul3A_2, %mul3A_142 : i32
      %dma_start3A_144 = arith.constant 0 : i32
      %dma_start3A_145 = tpu.memref_slice %arg4[%add3A_143, %dma_start3A_144] : memref<819200x128xf32, #tpu.memory_space<hbm>> -> memref<400x64xf32, #tpu.memory_space<hbm>>
      %dma_start3A_146 = arith.constant 0 : i32
      %dma_start3A_147 = tpu.memref_slice %arg4[%add3A_143, %dma_start3A_146] : memref<819200x128xf32, #tpu.memory_space<hbm>> -> memref<400x64xf32, #tpu.memory_space<hbm>>
      tpu.enqueue_dma source(%arg8 : memref<400x64xf32, #tpu.memory_space<vmem>>) target(%dma_start3A_147 : memref<400x64xf32, #tpu.memory_space<hbm>>) target_semaphore(%arg16 : memref<!tpu.dma_semaphore, #tpu.memory_space<semaphore_mem>>)
      %add3A_148 = arith.constant 3 : i32
      %add3A_149 = arith.addi %mul3A_96, %add3A_148 : i32
      %mul3A_150 = arith.constant 400 : i32
      %mul3A_151 = arith.muli %add3A_149, %mul3A_150 : i32
      %dma_wait3A_152 = tpu.memref_slice %arg5[%mul3A_151] : memref<25600xi32, #tpu.memory_space<vmem>> -> memref<400xi32, #tpu.memory_space<vmem>>
      %dma_wait3A_153 = arith.constant 0 : i32
      %dma_wait3A_154 = arith.constant 0 : i32
      %dma_wait3A_155 = tpu.memref_slice %arg2[%dma_wait3A_153, %dma_wait3A_154] : memref<1000000x64xf32, #tpu.memory_space<hbm>> -> memref<1000000x64xf32, #tpu.memory_space<hbm>>
      tpu.wait_indirect_dma semaphore(%arg13 : memref<!tpu.dma_semaphore, #tpu.memory_space<semaphore_mem>>) src(%dma_wait3A_155 : memref<1000000x64xf32, #tpu.memory_space<hbm>>) dst(%arg9 : memref<400x64xf32, #tpu.memory_space<vmem>>)
      %add3A_156 = arith.constant 3 : i32
      %add3A_157 = arith.addi %mul3A_96, %add3A_156 : i32
      %mul3A_158 = arith.constant 400 : i32
      %mul3A_159 = arith.muli %add3A_157, %mul3A_158 : i32
      %add3A_160 = arith.addi %mul3A_2, %mul3A_159 : i32
      %dma_start3A_161 = arith.constant 0 : i32
      %dma_start3A_162 = tpu.memref_slice %arg4[%add3A_160, %dma_start3A_161] : memref<819200x128xf32, #tpu.memory_space<hbm>> -> memref<400x64xf32, #tpu.memory_space<hbm>>
      %dma_start3A_163 = arith.constant 0 : i32
      %dma_start3A_164 = tpu.memref_slice %arg4[%add3A_160, %dma_start3A_163] : memref<819200x128xf32, #tpu.memory_space<hbm>> -> memref<400x64xf32, #tpu.memory_space<hbm>>
      tpu.enqueue_dma source(%arg9 : memref<400x64xf32, #tpu.memory_space<vmem>>) target(%dma_start3A_164 : memref<400x64xf32, #tpu.memory_space<hbm>>) target_semaphore(%arg17 : memref<!tpu.dma_semaphore, #tpu.memory_space<semaphore_mem>>)
      %add3A_165 = arith.constant 0 : i32
      %add3A_166 = arith.addi %mul3A_96, %add3A_165 : i32
      %mul3A_167 = arith.constant 400 : i32
      %mul3A_168 = arith.muli %add3A_166, %mul3A_167 : i32
      %add3A_169 = arith.addi %mul3A_2, %mul3A_168 : i32
      %dma_wait3A_170 = arith.constant 0 : i32
      %dma_wait3A_171 = tpu.memref_slice %arg4[%add3A_169, %dma_wait3A_170] : memref<819200x128xf32, #tpu.memory_space<hbm>> -> memref<400x64xf32, #tpu.memory_space<hbm>>
      %dma_wait3A_172 = arith.constant 0 : i32
      %dma_wait3A_173 = tpu.memref_slice %arg4[%add3A_169, %dma_wait3A_172] : memref<819200x128xf32, #tpu.memory_space<hbm>> -> memref<400x64xf32, #tpu.memory_space<hbm>>
      tpu.wait_dma2 semaphore(%arg14 : memref<!tpu.dma_semaphore, #tpu.memory_space<semaphore_mem>>) src(%arg6 : memref<400x64xf32, #tpu.memory_space<vmem>>) dst(%dma_wait3A_173 : memref<400x64xf32, #tpu.memory_space<hbm>>)
      %add3A_174 = arith.constant 4 : i32
      %add3A_175 = arith.addi %mul3A_96, %add3A_174 : i32
      %add3A_176 = arith.constant 0 : i32
      %add3A_177 = arith.addi %add3A_175, %add3A_176 : i32
      %mul3A_178 = arith.constant 400 : i32
      %mul3A_179 = arith.muli %add3A_177, %mul3A_178 : i32
      %dma_start3A_180 = tpu.memref_slice %arg5[%mul3A_179] : memref<25600xi32, #tpu.memory_space<vmem>> -> memref<400xi32, #tpu.memory_space<vmem>>
      %dma_start3A_181 = arith.constant 0 : i32
      %dma_start3A_182 = arith.constant 0 : i32
      %dma_start3A_183 = tpu.memref_slice %arg2[%dma_start3A_181, %dma_start3A_182] : memref<1000000x64xf32, #tpu.memory_space<hbm>> -> memref<1000000x64xf32, #tpu.memory_space<hbm>>
      tpu.enqueue_indirect_dma source(%dma_start3A_183 : memref<1000000x64xf32, #tpu.memory_space<hbm>>) target(%arg6 : memref<400x64xf32, #tpu.memory_space<vmem>>) offsets(%dma_start3A_180 : memref<400xi32, #tpu.memory_space<vmem>>) semaphore(%arg10 : memref<!tpu.dma_semaphore, #tpu.memory_space<semaphore_mem>>)
      %add3A_184 = arith.constant 1 : i32
      %add3A_185 = arith.addi %mul3A_96, %add3A_184 : i32
      %mul3A_186 = arith.constant 400 : i32
      %mul3A_187 = arith.muli %add3A_185, %mul3A_186 : i32
      %add3A_188 = arith.addi %mul3A_2, %mul3A_187 : i32
      %dma_wait3A_189 = arith.constant 0 : i32
      %dma_wait3A_190 = tpu.memref_slice %arg4[%add3A_188, %dma_wait3A_189] : memref<819200x128xf32, #tpu.memory_space<hbm>> -> memref<400x64xf32, #tpu.memory_space<hbm>>
      %dma_wait3A_191 = arith.constant 0 : i32
      %dma_wait3A_192 = tpu.memref_slice %arg4[%add3A_188, %dma_wait3A_191] : memref<819200x128xf32, #tpu.memory_space<hbm>> -> memref<400x64xf32, #tpu.memory_space<hbm>>
      tpu.wait_dma2 semaphore(%arg15 : memref<!tpu.dma_semaphore, #tpu.memory_space<semaphore_mem>>) src(%arg7 : memref<400x64xf32, #tpu.memory_space<vmem>>) dst(%dma_wait3A_192 : memref<400x64xf32, #tpu.memory_space<hbm>>)
      %add3A_193 = arith.constant 4 : i32
      %add3A_194 = arith.addi %mul3A_96, %add3A_193 : i32
      %add3A_195 = arith.constant 1 : i32
      %add3A_196 = arith.addi %add3A_194, %add3A_195 : i32
      %mul3A_197 = arith.constant 400 : i32
      %mul3A_198 = arith.muli %add3A_196, %mul3A_197 : i32
      %dma_start3A_199 = tpu.memref_slice %arg5[%mul3A_198] : memref<25600xi32, #tpu.memory_space<vmem>> -> memref<400xi32, #tpu.memory_space<vmem>>
      %dma_start3A_200 = arith.constant 0 : i32
      %dma_start3A_201 = arith.constant 0 : i32
      %dma_start3A_202 = tpu.memref_slice %arg2[%dma_start3A_200, %dma_start3A_201] : memref<1000000x64xf32, #tpu.memory_space<hbm>> -> memref<1000000x64xf32, #tpu.memory_space<hbm>>
      tpu.enqueue_indirect_dma source(%dma_start3A_202 : memref<1000000x64xf32, #tpu.memory_space<hbm>>) target(%arg7 : memref<400x64xf32, #tpu.memory_space<vmem>>) offsets(%dma_start3A_199 : memref<400xi32, #tpu.memory_space<vmem>>) semaphore(%arg11 : memref<!tpu.dma_semaphore, #tpu.memory_space<semaphore_mem>>)
      %add3A_203 = arith.constant 2 : i32
      %add3A_204 = arith.addi %mul3A_96, %add3A_203 : i32
      %mul3A_205 = arith.constant 400 : i32
      %mul3A_206 = arith.muli %add3A_204, %mul3A_205 : i32
      %add3A_207 = arith.addi %mul3A_2, %mul3A_206 : i32
      %dma_wait3A_208 = arith.constant 0 : i32
      %dma_wait3A_209 = tpu.memref_slice %arg4[%add3A_207, %dma_wait3A_208] : memref<819200x128xf32, #tpu.memory_space<hbm>> -> memref<400x64xf32, #tpu.memory_space<hbm>>
      %dma_wait3A_210 = arith.constant 0 : i32
      %dma_wait3A_211 = tpu.memref_slice %arg4[%add3A_207, %dma_wait3A_210] : memref<819200x128xf32, #tpu.memory_space<hbm>> -> memref<400x64xf32, #tpu.memory_space<hbm>>
      tpu.wait_dma2 semaphore(%arg16 : memref<!tpu.dma_semaphore, #tpu.memory_space<semaphore_mem>>) src(%arg8 : memref<400x64xf32, #tpu.memory_space<vmem>>) dst(%dma_wait3A_211 : memref<400x64xf32, #tpu.memory_space<hbm>>)
      %add3A_212 = arith.constant 4 : i32
      %add3A_213 = arith.addi %mul3A_96, %add3A_212 : i32
      %add3A_214 = arith.constant 2 : i32
      %add3A_215 = arith.addi %add3A_213, %add3A_214 : i32
      %mul3A_216 = arith.constant 400 : i32
      %mul3A_217 = arith.muli %add3A_215, %mul3A_216 : i32
      %dma_start3A_218 = tpu.memref_slice %arg5[%mul3A_217] : memref<25600xi32, #tpu.memory_space<vmem>> -> memref<400xi32, #tpu.memory_space<vmem>>
      %dma_start3A_219 = arith.constant 0 : i32
      %dma_start3A_220 = arith.constant 0 : i32
      %dma_start3A_221 = tpu.memref_slice %arg2[%dma_start3A_219, %dma_start3A_220] : memref<1000000x64xf32, #tpu.memory_space<hbm>> -> memref<1000000x64xf32, #tpu.memory_space<hbm>>
      tpu.enqueue_indirect_dma source(%dma_start3A_221 : memref<1000000x64xf32, #tpu.memory_space<hbm>>) target(%arg8 : memref<400x64xf32, #tpu.memory_space<vmem>>) offsets(%dma_start3A_218 : memref<400xi32, #tpu.memory_space<vmem>>) semaphore(%arg12 : memref<!tpu.dma_semaphore, #tpu.memory_space<semaphore_mem>>)
      %add3A_222 = arith.constant 3 : i32
      %add3A_223 = arith.addi %mul3A_96, %add3A_222 : i32
      %mul3A_224 = arith.constant 400 : i32
      %mul3A_225 = arith.muli %add3A_223, %mul3A_224 : i32
      %add3A_226 = arith.addi %mul3A_2, %mul3A_225 : i32
      %dma_wait3A_227 = arith.constant 0 : i32
      %dma_wait3A_228 = tpu.memref_slice %arg4[%add3A_226, %dma_wait3A_227] : memref<819200x128xf32, #tpu.memory_space<hbm>> -> memref<400x64xf32, #tpu.memory_space<hbm>>
      %dma_wait3A_229 = arith.constant 0 : i32
      %dma_wait3A_230 = tpu.memref_slice %arg4[%add3A_226, %dma_wait3A_229] : memref<819200x128xf32, #tpu.memory_space<hbm>> -> memref<400x64xf32, #tpu.memory_space<hbm>>
      tpu.wait_dma2 semaphore(%arg17 : memref<!tpu.dma_semaphore, #tpu.memory_space<semaphore_mem>>) src(%arg9 : memref<400x64xf32, #tpu.memory_space<vmem>>) dst(%dma_wait3A_230 : memref<400x64xf32, #tpu.memory_space<hbm>>)
      %add3A_231 = arith.constant 4 : i32
      %add3A_232 = arith.addi %mul3A_96, %add3A_231 : i32
      %add3A_233 = arith.constant 3 : i32
      %add3A_234 = arith.addi %add3A_232, %add3A_233 : i32
      %mul3A_235 = arith.constant 400 : i32
      %mul3A_236 = arith.muli %add3A_234, %mul3A_235 : i32
      %dma_start3A_237 = tpu.memref_slice %arg5[%mul3A_236] : memref<25600xi32, #tpu.memory_space<vmem>> -> memref<400xi32, #tpu.memory_space<vmem>>
      %dma_start3A_238 = arith.constant 0 : i32
      %dma_start3A_239 = arith.constant 0 : i32
      %dma_start3A_240 = tpu.memref_slice %arg2[%dma_start3A_238, %dma_start3A_239] : memref<1000000x64xf32, #tpu.memory_space<hbm>> -> memref<1000000x64xf32, #tpu.memory_space<hbm>>
      tpu.enqueue_indirect_dma source(%dma_start3A_240 : memref<1000000x64xf32, #tpu.memory_space<hbm>>) target(%arg9 : memref<400x64xf32, #tpu.memory_space<vmem>>) offsets(%dma_start3A_237 : memref<400xi32, #tpu.memory_space<vmem>>) semaphore(%arg13 : memref<!tpu.dma_semaphore, #tpu.memory_space<semaphore_mem>>)
    }
    %scan3A_26 = arith.constant 15 : i32
    %dma_wait3A = arith.constant 24000 : i32
    %dma_wait3A_27 = tpu.memref_slice %arg5[%dma_wait3A] : memref<25600xi32, #tpu.memory_space<vmem>> -> memref<400xi32, #tpu.memory_space<vmem>>
    %dma_wait3A_28 = arith.constant 0 : i32
    %dma_wait3A_29 = arith.constant 0 : i32
    %dma_wait3A_30 = tpu.memref_slice %arg2[%dma_wait3A_28, %dma_wait3A_29] : memref<1000000x64xf32, #tpu.memory_space<hbm>> -> memref<1000000x64xf32, #tpu.memory_space<hbm>>
    tpu.wait_indirect_dma semaphore(%arg10 : memref<!tpu.dma_semaphore, #tpu.memory_space<semaphore_mem>>) src(%dma_wait3A_30 : memref<1000000x64xf32, #tpu.memory_space<hbm>>) dst(%arg6 : memref<400x64xf32, #tpu.memory_space<vmem>>)
    %add3A_31 = arith.constant 24000 : i32
    %add3A_32 = arith.addi %mul3A_2, %add3A_31 : i32
    %dma_start3A_33 = arith.constant 0 : i32
    %dma_start3A_34 = tpu.memref_slice %arg4[%add3A_32, %dma_start3A_33] : memref<819200x128xf32, #tpu.memory_space<hbm>> -> memref<400x64xf32, #tpu.memory_space<hbm>>
    %dma_start3A_35 = arith.constant 0 : i32
    %dma_start3A_36 = tpu.memref_slice %arg4[%add3A_32, %dma_start3A_35] : memref<819200x128xf32, #tpu.memory_space<hbm>> -> memref<400x64xf32, #tpu.memory_space<hbm>>
    tpu.enqueue_dma source(%arg6 : memref<400x64xf32, #tpu.memory_space<vmem>>) target(%dma_start3A_36 : memref<400x64xf32, #tpu.memory_space<hbm>>) target_semaphore(%arg14 : memref<!tpu.dma_semaphore, #tpu.memory_space<semaphore_mem>>)
    %dma_wait3A_37 = arith.constant 24400 : i32
    %dma_wait3A_38 = tpu.memref_slice %arg5[%dma_wait3A_37] : memref<25600xi32, #tpu.memory_space<vmem>> -> memref<400xi32, #tpu.memory_space<vmem>>
    %dma_wait3A_39 = arith.constant 0 : i32
    %dma_wait3A_40 = arith.constant 0 : i32
    %dma_wait3A_41 = tpu.memref_slice %arg2[%dma_wait3A_39, %dma_wait3A_40] : memref<1000000x64xf32, #tpu.memory_space<hbm>> -> memref<1000000x64xf32, #tpu.memory_space<hbm>>
    tpu.wait_indirect_dma semaphore(%arg11 : memref<!tpu.dma_semaphore, #tpu.memory_space<semaphore_mem>>) src(%dma_wait3A_41 : memref<1000000x64xf32, #tpu.memory_space<hbm>>) dst(%arg7 : memref<400x64xf32, #tpu.memory_space<vmem>>)
    %add3A_42 = arith.constant 24400 : i32
    %add3A_43 = arith.addi %mul3A_2, %add3A_42 : i32
    %dma_start3A_44 = arith.constant 0 : i32
    %dma_start3A_45 = tpu.memref_slice %arg4[%add3A_43, %dma_start3A_44] : memref<819200x128xf32, #tpu.memory_space<hbm>> -> memref<400x64xf32, #tpu.memory_space<hbm>>
    %dma_start3A_46 = arith.constant 0 : i32
    %dma_start3A_47 = tpu.memref_slice %arg4[%add3A_43, %dma_start3A_46] : memref<819200x128xf32, #tpu.memory_space<hbm>> -> memref<400x64xf32, #tpu.memory_space<hbm>>
    tpu.enqueue_dma source(%arg7 : memref<400x64xf32, #tpu.memory_space<vmem>>) target(%dma_start3A_47 : memref<400x64xf32, #tpu.memory_space<hbm>>) target_semaphore(%arg15 : memref<!tpu.dma_semaphore, #tpu.memory_space<semaphore_mem>>)
    %dma_wait3A_48 = arith.constant 24800 : i32
    %dma_wait3A_49 = tpu.memref_slice %arg5[%dma_wait3A_48] : memref<25600xi32, #tpu.memory_space<vmem>> -> memref<400xi32, #tpu.memory_space<vmem>>
    %dma_wait3A_50 = arith.constant 0 : i32
    %dma_wait3A_51 = arith.constant 0 : i32
    %dma_wait3A_52 = tpu.memref_slice %arg2[%dma_wait3A_50, %dma_wait3A_51] : memref<1000000x64xf32, #tpu.memory_space<hbm>> -> memref<1000000x64xf32, #tpu.memory_space<hbm>>
    tpu.wait_indirect_dma semaphore(%arg12 : memref<!tpu.dma_semaphore, #tpu.memory_space<semaphore_mem>>) src(%dma_wait3A_52 : memref<1000000x64xf32, #tpu.memory_space<hbm>>) dst(%arg8 : memref<400x64xf32, #tpu.memory_space<vmem>>)
    %add3A_53 = arith.constant 24800 : i32
    %add3A_54 = arith.addi %mul3A_2, %add3A_53 : i32
    %dma_start3A_55 = arith.constant 0 : i32
    %dma_start3A_56 = tpu.memref_slice %arg4[%add3A_54, %dma_start3A_55] : memref<819200x128xf32, #tpu.memory_space<hbm>> -> memref<400x64xf32, #tpu.memory_space<hbm>>
    %dma_start3A_57 = arith.constant 0 : i32
    %dma_start3A_58 = tpu.memref_slice %arg4[%add3A_54, %dma_start3A_57] : memref<819200x128xf32, #tpu.memory_space<hbm>> -> memref<400x64xf32, #tpu.memory_space<hbm>>
    tpu.enqueue_dma source(%arg8 : memref<400x64xf32, #tpu.memory_space<vmem>>) target(%dma_start3A_58 : memref<400x64xf32, #tpu.memory_space<hbm>>) target_semaphore(%arg16 : memref<!tpu.dma_semaphore, #tpu.memory_space<semaphore_mem>>)
    %dma_wait3A_59 = arith.constant 25200 : i32
    %dma_wait3A_60 = tpu.memref_slice %arg5[%dma_wait3A_59] : memref<25600xi32, #tpu.memory_space<vmem>> -> memref<400xi32, #tpu.memory_space<vmem>>
    %dma_wait3A_61 = arith.constant 0 : i32
    %dma_wait3A_62 = arith.constant 0 : i32
    %dma_wait3A_63 = tpu.memref_slice %arg2[%dma_wait3A_61, %dma_wait3A_62] : memref<1000000x64xf32, #tpu.memory_space<hbm>> -> memref<1000000x64xf32, #tpu.memory_space<hbm>>
    tpu.wait_indirect_dma semaphore(%arg13 : memref<!tpu.dma_semaphore, #tpu.memory_space<semaphore_mem>>) src(%dma_wait3A_63 : memref<1000000x64xf32, #tpu.memory_space<hbm>>) dst(%arg9 : memref<400x64xf32, #tpu.memory_space<vmem>>)
    %add3A_64 = arith.constant 25200 : i32
    %add3A_65 = arith.addi %mul3A_2, %add3A_64 : i32
    %dma_start3A_66 = arith.constant 0 : i32
    %dma_start3A_67 = tpu.memref_slice %arg4[%add3A_65, %dma_start3A_66] : memref<819200x128xf32, #tpu.memory_space<hbm>> -> memref<400x64xf32, #tpu.memory_space<hbm>>
    %dma_start3A_68 = arith.constant 0 : i32
    %dma_start3A_69 = tpu.memref_slice %arg4[%add3A_65, %dma_start3A_68] : memref<819200x128xf32, #tpu.memory_space<hbm>> -> memref<400x64xf32, #tpu.memory_space<hbm>>
    tpu.enqueue_dma source(%arg9 : memref<400x64xf32, #tpu.memory_space<vmem>>) target(%dma_start3A_69 : memref<400x64xf32, #tpu.memory_space<hbm>>) target_semaphore(%arg17 : memref<!tpu.dma_semaphore, #tpu.memory_space<semaphore_mem>>)
    %add3A_70 = arith.constant 24000 : i32
    %add3A_71 = arith.addi %mul3A_2, %add3A_70 : i32
    %dma_wait3A_72 = arith.constant 0 : i32
    %dma_wait3A_73 = tpu.memref_slice %arg4[%add3A_71, %dma_wait3A_72] : memref<819200x128xf32, #tpu.memory_space<hbm>> -> memref<400x64xf32, #tpu.memory_space<hbm>>
    %dma_wait3A_74 = arith.constant 0 : i32
    %dma_wait3A_75 = tpu.memref_slice %arg4[%add3A_71, %dma_wait3A_74] : memref<819200x128xf32, #tpu.memory_space<hbm>> -> memref<400x64xf32, #tpu.memory_space<hbm>>
    tpu.wait_dma2 semaphore(%arg14 : memref<!tpu.dma_semaphore, #tpu.memory_space<semaphore_mem>>) src(%arg6 : memref<400x64xf32, #tpu.memory_space<vmem>>) dst(%dma_wait3A_75 : memref<400x64xf32, #tpu.memory_space<hbm>>)
    %add3A_76 = arith.constant 24400 : i32
    %add3A_77 = arith.addi %mul3A_2, %add3A_76 : i32
    %dma_wait3A_78 = arith.constant 0 : i32
    %dma_wait3A_79 = tpu.memref_slice %arg4[%add3A_77, %dma_wait3A_78] : memref<819200x128xf32, #tpu.memory_space<hbm>> -> memref<400x64xf32, #tpu.memory_space<hbm>>
    %dma_wait3A_80 = arith.constant 0 : i32
    %dma_wait3A_81 = tpu.memref_slice %arg4[%add3A_77, %dma_wait3A_80] : memref<819200x128xf32, #tpu.memory_space<hbm>> -> memref<400x64xf32, #tpu.memory_space<hbm>>
    tpu.wait_dma2 semaphore(%arg15 : memref<!tpu.dma_semaphore, #tpu.memory_space<semaphore_mem>>) src(%arg7 : memref<400x64xf32, #tpu.memory_space<vmem>>) dst(%dma_wait3A_81 : memref<400x64xf32, #tpu.memory_space<hbm>>)
    %add3A_82 = arith.constant 24800 : i32
    %add3A_83 = arith.addi %mul3A_2, %add3A_82 : i32
    %dma_wait3A_84 = arith.constant 0 : i32
    %dma_wait3A_85 = tpu.memref_slice %arg4[%add3A_83, %dma_wait3A_84] : memref<819200x128xf32, #tpu.memory_space<hbm>> -> memref<400x64xf32, #tpu.memory_space<hbm>>
    %dma_wait3A_86 = arith.constant 0 : i32
    %dma_wait3A_87 = tpu.memref_slice %arg4[%add3A_83, %dma_wait3A_86] : memref<819200x128xf32, #tpu.memory_space<hbm>> -> memref<400x64xf32, #tpu.memory_space<hbm>>
    tpu.wait_dma2 semaphore(%arg16 : memref<!tpu.dma_semaphore, #tpu.memory_space<semaphore_mem>>) src(%arg8 : memref<400x64xf32, #tpu.memory_space<vmem>>) dst(%dma_wait3A_87 : memref<400x64xf32, #tpu.memory_space<hbm>>)
    %add3A_88 = arith.constant 25200 : i32
    %add3A_89 = arith.addi %mul3A_2, %add3A_88 : i32
    %dma_wait3A_90 = arith.constant 0 : i32
    %dma_wait3A_91 = tpu.memref_slice %arg4[%add3A_89, %dma_wait3A_90] : memref<819200x128xf32, #tpu.memory_space<hbm>> -> memref<400x64xf32, #tpu.memory_space<hbm>>
    %dma_wait3A_92 = arith.constant 0 : i32
    %dma_wait3A_93 = tpu.memref_slice %arg4[%add3A_89, %dma_wait3A_92] : memref<819200x128xf32, #tpu.memory_space<hbm>> -> memref<400x64xf32, #tpu.memory_space<hbm>>
    tpu.wait_dma2 semaphore(%arg17 : memref<!tpu.dma_semaphore, #tpu.memory_space<semaphore_mem>>) src(%arg9 : memref<400x64xf32, #tpu.memory_space<vmem>>) dst(%dma_wait3A_93 : memref<400x64xf32, #tpu.memory_space<hbm>>)
    return
  }
}

</mosaic_0001>

<sc_bundles>
// kernel: _lookup.3.cloned.1.call-start
scs
__scs_entry_jumppad:
0x0: {  	(pc) =	sbr.rel $0x88, $3  }
0x1: {  	(tag) =	ssettag $0x0;
	lr =	simm.s32 $0x1  }
0x2: {  	[smem:$0x3F9F] =	sst lr;
	_ =	strace $0xD0000000  }
0x3: {  	_ = 	snop  }
0x4: {  	_ = 	snop  }
0x5: {  	_ = 	snop  }
0x6: {  	_ = 	snop  }
0x7: {  	_ = 	snop  }
__scs_overlays_trampoline_lowered:
0x8: {  	[smem:$0x3FAE] =	sst s0  }
0x9: {  	[smem:$0x3FAF] =	sst s1  }
0xa: {  	[smem:$0x3FB0] =	sst s2  }
0xb: {  	[smem:$0x3FB1] =	sst s3  }
0xc: {  	[smem:$0x3FB2] =	sst s4  }
0xd: {  	[smem:$0x3FB3] =	sst s5  }
0xe: {  	[smem:$0x3FB4] =	sst s6  }
0xf: {  	[smem:$0x3FB5] =	sst s7  }
0x10: {  	[smem:$0x3FB6] =	sst s8  }
0x11: {  	[smem:$0x3FB7] =	sst s9;
	s0 =	simm.s32 @!p0 $0x0  }
0x12: {  	s1 =	sld [smem:$0x3F9D];
	s0 =	simm.s32 @p0 $0x1  }
0x13: {  	[smem:$0x3FB8] =	sst s0;
	s0 =	simm.s32 @!p1 $0x0  }
0x14: {  	s2 =	sld [smem:$0x3F9C];
	s0 =	simm.s32 @p1 $0x1  }
0x15: {  	[smem:$0x3FB9] =	sst s0;
	s0 =	simm.s32 @!p2 $0x0  }
0x16: {  	s3 =	sld [smem:$0x3FDB];
	s0 =	simm.s32 @p2 $0x1  }
0x17: {  	s4 =	simm.s32 $0x1BF5;
	[smem:$0x3FBB] =	sst s0  }
0x18: {  	s0 =	sld [smem:$0x3F9E];
	_ =	swait.ge [sflag:s4], $0x0  }
0x19: {  	s7 =	sld [smem:$0x3F9F]  }
0x1a: {  	s8 =	sadd.s32 $0xFFFFE003, lr  }
0x1b: {  	s9 =	sadd.s32 $0xFFFFFEF7, lr;
	s5 =	simm.s32 $0xFFFFFFFF;
	p2 =	slt.u32 s8, $0xFFFFF086  }
0x1c: {  	p1 =	slt.u32 s9, $0xF7A;
	s5 =	simm.s32 @!p2 $0x0  }
0x1d: {  	s5 =	simm.s32 @p1 $0x1;
	p0 =	seq.s32 s7, s2  }
0x1e: {  	s7 =	smul.u32 @!p0 $0xF7A, s2;
	p2 =	seq.s32 @!p0 s5, $0x0  }
0x1f: {  	s9 =	smul.u32 $0xF7A, s1;
	s8 =	simm.s32 @!p0 $0x1BF5;
	p2 =	por !p2, p0  }
0x20: {  	[sflag:s8] =	ssyncset.s32 @!p0 $0xFFFFF086;
	s6 =	sadd.s32 @!p0 s3, s7;
	s7 =	simm.s32 @!p0 $0x108  }
0x21: {  	s3 =	sadd.s32 s3, s9;
	s6 =	sadd.s32 @!p0 $0x88, s6;
	s7 =	simm.s32 @p2 $0x1082  }
0x22: {  	[simem:s7], [sflag:s8] =	dma.local @!p0 [hbm:s6], $0xF7A  }
0x23: {  	s9 =	sor.u32 $0xD0000000, s2;
	s6 =	simm.s32 $0x108;
	_ =	swait.ge @!p0 [sflag:s8], $0x0  }
0x24: {  	s3 =	sadd.s32 $0x88, s3;
	s6 =	simm.s32 @!p1 $0x1082;
	[sflag:s4] =	ssyncset.s32 $0xFFFFF086  }
0x25: {  	[simem:s6], [sflag:s4] =	dma.local [hbm:s3], $0xF7A  }
0x26: {  	[smem:$0x3F9F] =	sst s1;
	(tag) =	ssettag s2;
	_ =	strace s9  }
0x27: {  	s1 =	sld [smem:$0x3FAF]  }
0x28: {  	s2 =	sld [smem:$0x3FB0]  }
0x29: {  	s4 =	sld [smem:$0x3FB2]  }
0x2a: {  	p0 =	seq.s32 s5, $0x0;
	s5 =	sld [smem:$0x3FB3]  }
0x2b: {  	s6 =	sld [smem:$0x3FB4]  }
0x2c: {  	s7 =	sld [smem:$0x3FB5]  }
0x2d: {  	s3 =	simm.s32 $0x108;
	s8 =	sld [smem:$0x3FB6]  }
0x2e: {  	s3 =	simm.s32 @!p0 $0x1082;
	s9 =	sld [smem:$0x3FB7]  }
0x2f: {  	lr =	sadd.s32 s0, s3;
	s0 =	sld [smem:$0x3FAE]  }
0x30: {  	s3 =	sld [smem:$0x3FB1]  }
0x31: {  	[smem:$0x3FBA] =	sst s10  }
0x32: {  	s10 =	sld [smem:$0x3FB8];
	_ =	sdelay $0x3  }
0x33: {  	p0 =	seq.s32 s10, $0x1;
	s10 =	sld [smem:$0x3FBA];
	_ =	sdelay $0x3  }
0x34: {  	[smem:$0x3FBA] =	sst s10  }
0x35: {  	s10 =	sld [smem:$0x3FB9];
	_ =	sdelay $0x3  }
0x36: {  	p1 =	seq.s32 s10, $0x1;
	s10 =	sld [smem:$0x3FBA];
	_ =	sdelay $0x3  }
0x37: {  	[smem:$0x3FBA] =	sst s10  }
0x38: {  	s10 =	sld [smem:$0x3FBB]  }
0x39: {  	_ = 	snop;
	(pc) =	sbr.ind lr, $3  }
0x3a: {  	_ = 	snop  }
0x3b: {  	_ = 	snop  }
0x3c: {  	p2 =	seq.s32 s10, $0x1;
	s10 =	sld [smem:$0x3FBA]  }
0x3d: {  	_ =	shalt  }
0x3e: {  	_ =	shalt  }
0x3f: {  	_ =	shalt  }
0x40: {  	_ =	shalt  }
0x41: {  	_ =	shalt  }
0x42: {  	_ =	shalt  }
0x43: {  	_ =	shalt  }
0x44: {  	_ =	shalt  }
0x45: {  	_ =	shalt  }
0x46: {  	_ =	shalt  }
0x47: {  	_ =	shalt  }
0x48: {  	_ =	shalt  }
0x49: {  	_ =	shalt  }
0x4a: {  	_ =	shalt  }
0x4b: {  	_ =	shalt  }
0x4c: {  	_ =	shalt  }
0x4d: {  	_ =	shalt  }
0x4e: {  	_ =	shalt  }
0x4f: {  	_ =	shalt  }
0x50: {  	_ =	shalt  }
0x51: {  	_ =	shalt  }
0x52: {  	_ =	shalt  }
0x53: {  	_ =	shalt  }
0x54: {  	_ =	shalt  }
0x55: {  	_ =	shalt  }
0x56: {  	_ =	shalt  }
0x57: {  	_ =	shalt  }
0x58: {  	_ =	shalt  }
0x59: {  	_ =	shalt  }
0x5a: {  	_ =	shalt  }
0x5b: {  	_ =	shalt  }
0x5c: {  	_ =	shalt  }
0x5d: {  	_ =	shalt  }
0x5e: {  	_ =	shalt  }
0x5f: {  	_ =	shalt  }
0x60: {  	_ =	shalt  }
0x61: {  	_ =	shalt  }
0x62: {  	_ =	shalt  }
0x63: {  	_ =	shalt  }
0x64: {  	_ =	shalt  }
0x65: {  	_ =	shalt  }
0x66: {  	_ =	shalt  }
0x67: {  	_ =	shalt  }
0x68: {  	_ =	shalt  }
0x69: {  	_ =	shalt  }
0x6a: {  	_ =	shalt  }
0x6b: {  	_ =	shalt  }
0x6c: {  	_ =	shalt  }
0x6d: {  	_ =	shalt  }
0x6e: {  	_ =	shalt  }
0x6f: {  	_ =	shalt  }
0x70: {  	_ =	shalt  }
0x71: {  	_ =	shalt  }
0x72: {  	_ =	shalt  }
0x73: {  	_ =	shalt  }
0x74: {  	_ =	shalt  }
0x75: {  	_ =	shalt  }
0x76: {  	_ =	shalt  }
0x77: {  	_ =	shalt  }
0x78: {  	_ =	shalt  }
0x79: {  	_ =	shalt  }
0x7a: {  	_ =	shalt  }
0x7b: {  	_ =	shalt  }
0x7c: {  	_ =	shalt  }
0x7d: {  	_ =	shalt  }
0x7e: {  	_ =	shalt  }
0x7f: {  	_ =	shalt  }
0x80: {  	_ =	shalt  }
0x81: {  	_ =	shalt  }
0x82: {  	_ =	shalt  }
0x83: {  	_ =	shalt  }
0x84: {  	_ =	shalt  }
0x85: {  	_ =	shalt  }
0x86: {  	_ =	shalt  }
0x87: {  	_ =	shalt  }
.Lfunc_end0:
.L_simem_size_0:
called_computation_lowered:
.L_overlay_start_0:
0x88: {  	s2 =	sld [smem:$0x3FD9]  }
0x89: {  	s3 =	sld [smem:$0x3FFE];
	_ =	sdelay $0x1  }
0x8a: {  	s1 =	srdreg.scid  }
0x8b: {  	s0 =	sand.u32 $0x1, s1  }
0x8c: {  	s17 =	sshll.u32 s0, $0xA;
	s2 =	sadd.s32 s3, s2  }
0x8d: {  	s2 =	sadd.s32 s2, s17  }
0x8e: {  	[smem:$0x3FC6] =	sst s2  }
0x8f: {  	_ = 	snop  }
0x90: {  	s2 =	sld [smem:$0x3FC9]  }
0x91: {  	s18 =	sld [smem:$0x3FD0];
	(tm) =	ssettm $0x1  }
0x92: {  	s4 =	sld [smem:$0x3FFB];
	_ =	sdelay $0x3  }
0x93: {  	_ =	strace s4  }
0x94: {  	s4 =	sld [smem:$0x3FFC];
	_ =	sdelay $0x3  }
0x95: {  	_ =	strace s4  }
0x96: {  	s4 =	sld [smem:$0x3FFD];
	_ =	sdelay $0x3  }
0x97: {  	_ =	strace s4  }
0x98: {  	_ =	strace $0x8FFFFFFF  }
0x99: {  	s19 =	sld [smem:$0x3FDB];
	_ =	sdelay $0x1  }
0x9a: {  	s5 =	simm.s32 $_scs_section_size  }
0x9b: {  	s6 =	simm.s32 $_size__tile_overlayer_lowered;
	s7 =	simm.s32 $_tile_overlayer_lowered  }
0x9c: {  	s22 =	simm.s32 $0x1BFF;
	s21 =	sshll.u32 s7, $0x1;
	s4 =	sadd.s32 s5, s19  }
0x9d: {  	s8 =	simm.s32 $0x0;
	s20 =	sshll.u32 s6, $0x1;
	s6 =	sadd.s32 s21, s4  }
0x9e: {  	[timem:s8], [sflag:s22] =	dma.local [hbm:s6], s20  }
0x9f: {  	_ =	swait.ge [sflag:s22], s20  }
0xa0: {  	s5 =	ssub.s32 $0x0, s20;
	[sflag:s22] =	ssyncset.done $0x0  }
0xa1: {  	[sflag:s22] =	ssyncadd.s32 s5;
	_ =	sdelay $0x1  }
0xa2: {  	s23 =	simm.s32 $0x1B8B  }
0xa3: {  	_ =	swait.ge [sflag:s23], $0x1  }
0xa4: {  	[sflag:s23] =	ssyncset.done $0x0  }
0xa5: {  	s25 =	simm.s32 $0x1B8E;
	s24 =	sld [smem:$0x3FFE];
	[sflag:s23] =	ssyncadd.s32 $0xFFFFFFFF  }
0xa6: {  	s26 =	simm.s32 $execute0_lowered;
	[smem:$0x3FD2] =	sst s25  }
0xa7: {  	s6 =	sshll.u32 s26, $0x1;
	_ =	strace $0x80000046;
	[dreg:$0x1] =	wrdreg $0xFFFFFFFF  }
0xa8: {  	s28 =	simm.s32 $_size_execute0_lowered;
	s4 =	sadd.s32 s4, s6;
	[dreg:$0x0] =	wrdreg $0x0  }
0xa9: {  	s6 =	sshll.u32 s28, $0x1;
	[dreg:$0x2] =	wrdreg s4  }
0xaa: {  	[dreg:$0x3] =	wrdreg s6  }
0xab: {  	[dreg:$0x4] =	wrdreg $0xC0  }
0xac: {  	_ =	task [dreg:s8], $0x5FFFF  }
0xad: {  	[dreg:$0x1] =	wrdreg $0xFFFFFFFF  }
0xae: {  	[dreg:$0x0] =	wrdreg $0x60  }
0xaf: {  	[dreg:$0x2] =	wrdreg s24  }
0xb0: {  	[dreg:$0x3] =	wrdreg s2  }
0xb1: {  	[dreg:$0x4] =	wrdreg s18  }
0xb2: {  	[dreg:$0x5] =	wrdreg $0x9  }
0xb3: {  	_ =	task.clear_ibuf [dreg:s8], $0x6FFFF;
	_ =	strace $0x90000046  }
0xb4: {  	s29 =	simm.s32 $0x9;
	_ =	strace $0x80000048  }
0xb5: {  	_ =	swait.ge [sflag:s29], $0x1  }
0xb6: {  	[sflag:s29] =	ssyncadd.s32 $0xFFFFFFFF  }
0xb7: {  	_ =	strace $0x90000048  }
0xb8: {  	_ =	sfence  }
0xb9: {  	s30 =	sld [smem:$0x0];
	_ =	sdelay $0x2  }
0xba: {  	s31 =	sshll.u32 s1, $0xD;
	s1 =	sshrl.u32 s1, $0x2  }
0xbb: {  	s3 =	sand.u32 $0x4000, s31;
	s1 =	sadd.s32 s1, s30  }
0xbc: {  	s0 =	sor.u32 s3, s0;
	s1 =	sshll.u32 s1, $0x11  }
0xbd: {  	s0 =	sor.u32 s1, s0  }
0xbe: {  	s0 =	sadd.s32 $0x8F2B, s0  }
0xbf: {  	[sflag:s0] =	ssyncadd.remote.s32 $0x1  }
0xc0: {  	_ =	sfence.sel $0xFFFF  }
0xc1: {  	[dreg:$0x0] =	wrdreg $0xFFFFFFFF;
	(pc) =	sbr.abs _section_cstart, $3  }
0xc2: {  	[dreg:$0x1] =	wrdreg $0xFFFFFFFF  }
0xc3: {  	_ =	task.clear_ibuf [dreg:s8], $0x2FFFF;
	_ =	strace $0x9FFFFFFF  }
0xc4: {  	(tm) =	ssettm $0x7FFFFFFF  }
0xc5: {  	_ =	shalt  }
tec
execute0_lowered:
.L_overlay_start_1:
0x0: {  	(tag) =	ssettag $0x1  }
0x1: {  	s0 =	rddreg [dreg:$0x0]  }
0x2: {  	s1 =	rddreg [dreg:$0x1]  }
0x3: {  	s2 =	rddreg [dreg:$0x2]  }
0x4: {  	s3 =	srdreg.scid;
	s10 =	stileid.u32  }
0x5: {  	s5 =	simm.s32 $0x0;
	s14 =	simm.s32 $0x9;
	s15 =	simm.s32 $0x190  }
0x6: {  	s16 =	simm.s32 $0x6400;
	s28 =	simm.s32 $0x4;
	s29 =	simm.s32 $0x5  }
0x7: {  	s30 =	simm.s32 $0x6;
	s31 =	simm.s32 $0x7;
	s8 =	smul.u32 $0xC800, s10  }
0x8: {  	s4 =	sand.u32 $0x1, s3;
	s17 =	sshll.u32 s10, $0x1;
	s24 =	smul.u32 $0xC8000, s10  }
0x9: {  	[smem:$0x7FF] =	sst s5;
	s18 =	sor.u32 s4, s17;
	s9 =	smul.u32 $0x6400, s4  }
0xa: {  	s3 =	sadd.s32 $0xF42800, s0;
	s19 =	ssub.s32 $0x2, s4;
	s6 =	smul.u32 $0x320000, s18  }
0xb: {  	_ =	strace $0x80000047;
	s5 =	smul.u32 $0x6400, s18;
	s7 =	sshrl.u32 s19, $0x1  }
0xc: {  	s26 =	smul.u32 $0x64000, s4;
	s17 =	simm.s32 $0xC800;
	s0 =	ssub.s32 s19, s7  }
0xd: {  	s23 =	sadd.s32 s9, s8;
	s6 =	sshrl.u32 s6, $0x3;
	s5 =	sshrl.u32 s5, $0x3  }
0xe: {  	s19 =	simm.s32 $0x12C00;
	s6 =	sadd.s32 s2, s6;
	s1 =	sadd.s32 s1, s5  }
0xf: {  	s9 =	smax.u32 s0, $0x1;
	[dreg:$0x4] =	wrdreg s1;
	s20 =	sadd.s32 $0x5DC00, s6  }
0x10: {  	s0 =	simm.s32 $0x8;
	s21 =	sadd.s32 $0x5F500, s6;
	[dreg:$0x5] =	wrdreg s20  }
0x11: {  	s22 =	sadd.s32 $0x60E00, s6;
	s8 =	sadd.s32 $0x62700, s6;
	[dreg:$0x6] =	wrdreg s21  }
0x12: {  	s1 =	sshll.u32 s23, $0x4;
	s23 =	simm.s32 $0x40;
	[dreg:$0x7] =	wrdreg s22  }
0x13: {  	s25 =	sadd.s32 s1, s2;
	s2 =	sadd.s32 s24, s2;
	s21 =	simm.s32 $0x19000  }
0x14: {  	s22 =	simm.s32 $0x1;
	s24 =	simm.s32 $0x80;
	s1 =	simm.s32 $0x0  }
0x15: {  	s10 =	sadd.s32 $0x4B00, s25;
	s11 =	sadd.s32 $0x3200, s25;
	s12 =	sadd.s32 $0x1900, s25  }
0x16: {  	s13 =	sadd.s32 s26, s2;
	s25 =	simm.s32 $0x2;
	s26 =	simm.s32 $0x3  }
.LBB2_1:
0x17: {  	s2 =	simm.s32 $0x0;
	s4 =	rddreg [dreg:$0x4]  }
0x18: {  	[tilespmem:s2], [sflag:$0x9] =	stream.linear.gather [hbm4b:s4+s2], $0x6400, $0x38;
	[tilespmem:$0x1F400] =	vst v63  }
0x19: {  	_ =	swait.ge [sflag:s14], $0x6400  }
0x1a: {  	[sflag:s14] =	ssyncset.done $0x0  }
0x1b: {  	[sflag:s14] =	ssyncadd.s32 $0xFFFF9C00  }
0x1c: {  	[tilespmem:s16], [sflag:$0x1] =	stream.indirect.gather [hbm4b:s3+s15], $0x40, s2, s15, $0xb8;
	[tilespmem:$0x1F400] =	vst v63  }
0x1d: {  	_ = 	snop  }
0x1e: {  	[tilespmem:s17], [sflag:$0x2] =	stream.indirect.gather [hbm4b:s3+s15], $0x40, s15, s15, $0xb8;
	[tilespmem:$0x1F400] =	vst v63  }
0x1f: {  	s5 =	simm.s32 $0x320  }
0x20: {  	[tilespmem:s19], [sflag:$0x3] =	stream.indirect.gather [hbm4b:s3+s15], $0x40, s5, s15, $0xb8;
	[tilespmem:$0x1F400] =	vst v63  }
0x21: {  	s6 =	simm.s32 $0x4B0  }
0x22: {  	[tilespmem:s21], [sflag:$0x4] =	stream.indirect.gather [hbm4b:s3+s15], $0x40, s6, s15, $0xb8;
	[tilespmem:$0x1F400] =	vst v63  }
0x23: {  	_ =	swait.ge [sflag:s22], $0x6400  }
0x24: {  	[sflag:s22] =	ssyncset.done $0x0  }
0x25: {  	[sflag:s22] =	ssyncadd.s32 $0xFFFF9C00  }
0x26: {  	[hbm4b:s13+s23] =	stream.strided.scatter [tilespmem:s16], [sflag:$0x5], $0x6400, s24, s23, $0x38;
	[tilespmem:$0x1F400] =	vst v63  }
0x27: {  	_ =	swait.ge [sflag:s25], $0x6400  }
0x28: {  	[sflag:s25] =	ssyncset.done $0x0  }
0x29: {  	[sflag:s25] =	ssyncadd.s32 $0xFFFF9C00  }
0x2a: {  	[hbm4b:s12+s23] =	stream.strided.scatter [tilespmem:s17], [sflag:$0x6], $0x6400, s24, s23, $0x38;
	[tilespmem:$0x1F400] =	vst v63  }
0x2b: {  	_ =	swait.ge [sflag:s26], $0x6400  }
0x2c: {  	[sflag:s26] =	ssyncset.done $0x0  }
0x2d: {  	[sflag:s26] =	ssyncadd.s32 $0xFFFF9C00  }
0x2e: {  	[hbm4b:s11+s23] =	stream.strided.scatter [tilespmem:s19], [sflag:$0x7], $0x6400, s24, s23, $0x38;
	[tilespmem:$0x1F400] =	vst v63  }
0x2f: {  	_ =	swait.ge [sflag:s28], $0x6400  }
0x30: {  	[sflag:s28] =	ssyncset.done $0x0  }
0x31: {  	[sflag:s28] =	ssyncadd.s32 $0xFFFF9C00  }
0x32: {  	[hbm4b:s10+s23] =	stream.strided.scatter [tilespmem:s21], [sflag:$0x8], $0x6400, s24, s23, $0x38;
	[tilespmem:$0x1F400] =	vst v63  }
0x33: {  	_ =	swait.ge [sflag:s29], $0x6400  }
0x34: {  	[sflag:s29] =	ssyncset.done $0x0  }
0x35: {  	s7 =	simm.s32 $0x640;
	[sflag:s29] =	ssyncadd.s32 $0xFFFF9C00  }
0x36: {  	[tilespmem:s16], [sflag:$0x1] =	stream.indirect.gather [hbm4b:s3+s15], $0x40, s7, s15, $0xb8;
	[tilespmem:$0x1F400] =	vst v63  }
0x37: {  	_ =	swait.ge [sflag:s30], $0x6400  }
0x38: {  	[sflag:s30] =	ssyncset.done $0x0  }
0x39: {  	s18 =	simm.s32 $0x7D0;
	[sflag:s30] =	ssyncadd.s32 $0xFFFF9C00  }
0x3a: {  	[tilespmem:s17], [sflag:$0x2] =	stream.indirect.gather [hbm4b:s3+s15], $0x40, s18, s15, $0xb8;
	[tilespmem:$0x1F400] =	vst v63  }
0x3b: {  	_ =	swait.ge [sflag:s31], $0x6400  }
0x3c: {  	[sflag:s31] =	ssyncset.done $0x0  }
0x3d: {  	s20 =	simm.s32 $0x960;
	[sflag:s31] =	ssyncadd.s32 $0xFFFF9C00  }
0x3e: {  	[tilespmem:s19], [sflag:$0x3] =	stream.indirect.gather [hbm4b:s3+s15], $0x40, s20, s15, $0xb8;
	[tilespmem:$0x1F400] =	vst v63  }
0x3f: {  	s4 =	sadd.s32 $0x6400, s12;
	s2 =	sadd.s32 $0x6400, s11;
	_ =	swait.ge [sflag:s0], $0x6400  }
0x40: {  	s5 =	sadd.s32 $0x6400, s10;
	s6 =	simm.s32 $0xAF0;
	[sflag:s0] =	ssyncset.done $0x0  }
0x41: {  	s18 =	simm.s32 $0x1900;
	s20 =	sadd.s32 $0x6400, s13;
	[sflag:s0] =	ssyncadd.s32 $0xFFFF9C00  }
.LBB2_2:
0x42: {  	[tilespmem:s21], [sflag:$0x4] =	stream.indirect.gather [hbm4b:s3+s15], $0x40, s6, s15, $0xb8;
	[tilespmem:$0x1F400] =	vst v63  }
0x43: {  	s6 =	smov.u32 s18  }
0x44: {  	p0 =	sne.s32 s18, $0x15E00;
	s18 =	sadd.s32 $0x1900, s18;
	_ =	swait.ge [sflag:s22], $0x6400  }
0x45: {  	[sflag:s22] =	ssyncset.done $0x0  }
0x46: {  	[sflag:s22] =	ssyncadd.s32 $0xFFFF9C00  }
0x47: {  	[hbm4b:s20+s23] =	stream.strided.scatter [tilespmem:s16], [sflag:$0x5], $0x6400, s24, s23, $0x38;
	[tilespmem:$0x1F400] =	vst v63  }
0x48: {  	_ =	swait.ge [sflag:s25], $0x6400  }
0x49: {  	[sflag:s25] =	ssyncset.done $0x0  }
0x4a: {  	[sflag:s25] =	ssyncadd.s32 $0xFFFF9C00  }
0x4b: {  	[hbm4b:s4+s23] =	stream.strided.scatter [tilespmem:s17], [sflag:$0x6], $0x6400, s24, s23, $0x38;
	[tilespmem:$0x1F400] =	vst v63  }
0x4c: {  	_ =	swait.ge [sflag:s26], $0x6400  }
0x4d: {  	[sflag:s26] =	ssyncset.done $0x0  }
0x4e: {  	[sflag:s26] =	ssyncadd.s32 $0xFFFF9C00  }
0x4f: {  	[hbm4b:s2+s23] =	stream.strided.scatter [tilespmem:s19], [sflag:$0x7], $0x6400, s24, s23, $0x38;
	[tilespmem:$0x1F400] =	vst v63  }
0x50: {  	_ =	swait.ge [sflag:s28], $0x6400  }
0x51: {  	[sflag:s28] =	ssyncset.done $0x0  }
0x52: {  	[sflag:s28] =	ssyncadd.s32 $0xFFFF9C00  }
0x53: {  	[hbm4b:s5+s23] =	stream.strided.scatter [tilespmem:s21], [sflag:$0x8], $0x6400, s24, s23, $0x38;
	[tilespmem:$0x1F400] =	vst v63  }
0x54: {  	_ =	swait.ge [sflag:s29], $0x6400  }
0x55: {  	s6 =	sshra.s32 s6, $0x2;
	[sflag:s29] =	ssyncset.done $0x0  }
0x56: {  	s7 =	sadd.s32 $0x640, s6;
	[sflag:s29] =	ssyncadd.s32 $0xFFFF9C00  }
0x57: {  	[tilespmem:s16], [sflag:$0x1] =	stream.indirect.gather [hbm4b:s3+s15], $0x40, s7, s15, $0xb8;
	[tilespmem:$0x1F400] =	vst v63  }
0x58: {  	_ =	swait.ge [sflag:s30], $0x6400  }
0x59: {  	[sflag:s30] =	ssyncset.done $0x0  }
0x5a: {  	s7 =	sadd.s32 $0x7D0, s6;
	[sflag:s30] =	ssyncadd.s32 $0xFFFF9C00  }
0x5b: {  	[tilespmem:s17], [sflag:$0x2] =	stream.indirect.gather [hbm4b:s3+s15], $0x40, s7, s15, $0xb8;
	[tilespmem:$0x1F400] =	vst v63  }
0x5c: {  	_ =	swait.ge [sflag:s31], $0x6400  }
0x5d: {  	[sflag:s31] =	ssyncset.done $0x0  }
.Ltmp0:
0x5e: {  	s7 =	sadd.s32 $0x960, s6;
	[sflag:s31] =	ssyncadd.s32 $0xFFFF9C00;
	(pc) =	sbr.rel @p0 .LBB2_2-.Ltmp0, $4  }
0x5f: {  	[tilespmem:s19], [sflag:$0x3] =	stream.indirect.gather [hbm4b:s3+s15], $0x40, s7, s15, $0xb8;
	[tilespmem:$0x1F400] =	vst v63  }
0x60: {  	s20 =	sadd.s32 $0x6400, s20;
	_ =	swait.ge [sflag:s0], $0x6400  }
0x61: {  	s4 =	sadd.s32 $0x6400, s4;
	s2 =	sadd.s32 $0x6400, s2;
	[sflag:s0] =	ssyncset.done $0x0  }
0x62: {  	s5 =	sadd.s32 $0x6400, s5;
	s6 =	sadd.s32 $0xAF0, s6;
	[sflag:s0] =	ssyncadd.s32 $0xFFFF9C00  }
0x63: {  	[tilespmem:s21], [sflag:$0x4] =	stream.indirect.gather [hbm4b:s3+s15], $0x40, s6, s15, $0xb8;
	[tilespmem:$0x1F400] =	vst v63  }
0x64: {  	_ =	swait.ge [sflag:s22], $0x6400  }
0x65: {  	[sflag:s22] =	ssyncset.done $0x0  }
0x66: {  	s2 =	rddreg [dreg:$0x5];
	[sflag:s22] =	ssyncadd.s32 $0xFFFF9C00  }
0x67: {  	[hbm4b:s2+s23] =	stream.strided.scatter [tilespmem:s16], [sflag:$0x5], $0x6400, s24, s23, $0x38;
	[tilespmem:$0x1F400] =	vst v63  }
0x68: {  	_ =	swait.ge [sflag:s25], $0x6400  }
0x69: {  	[sflag:s25] =	ssyncset.done $0x0  }
0x6a: {  	s18 =	rddreg [dreg:$0x6];
	[sflag:s25] =	ssyncadd.s32 $0xFFFF9C00  }
0x6b: {  	[hbm4b:s18+s23] =	stream.strided.scatter [tilespmem:s17], [sflag:$0x6], $0x6400, s24, s23, $0x38;
	[tilespmem:$0x1F400] =	vst v63  }
0x6c: {  	_ =	swait.ge [sflag:s26], $0x6400  }
0x6d: {  	[sflag:s26] =	ssyncset.done $0x0  }
0x6e: {  	s20 =	rddreg [dreg:$0x7];
	[sflag:s26] =	ssyncadd.s32 $0xFFFF9C00  }
0x6f: {  	[hbm4b:s20+s23] =	stream.strided.scatter [tilespmem:s19], [sflag:$0x7], $0x6400, s24, s23, $0x38;
	[tilespmem:$0x1F400] =	vst v63  }
0x70: {  	_ =	swait.ge [sflag:s28], $0x6400  }
0x71: {  	[sflag:s28] =	ssyncset.done $0x0  }
0x72: {  	[sflag:s28] =	ssyncadd.s32 $0xFFFF9C00  }
0x73: {  	[hbm4b:s8+s23] =	stream.strided.scatter [tilespmem:s21], [sflag:$0x8], $0x6400, s24, s23, $0x38;
	[tilespmem:$0x1F400] =	vst v63  }
0x74: {  	_ =	swait.ge [sflag:s29], $0x6400  }
0x75: {  	[sflag:s29] =	ssyncset.done $0x0  }
0x76: {  	[sflag:s29] =	ssyncadd.s32 $0xFFFF9C00  }
0x77: {  	_ =	swait.ge [sflag:s30], $0x6400  }
0x78: {  	[sflag:s30] =	ssyncset.done $0x0  }
0x79: {  	s1 =	sadd.s32 $0x1, s1;
	[sflag:s30] =	ssyncadd.s32 $0xFFFF9C00  }
0x7a: {  	p0 =	sne.s32 s1, s9;
	_ =	swait.ge [sflag:s31], $0x6400  }
.Ltmp1:
0x7b: {  	[sflag:s31] =	ssyncset.done $0x0;
	(pc) =	sbr.rel @p0 .LBB2_1-.Ltmp1, $4  }
0x7c: {  	[sflag:s31] =	ssyncadd.s32 $0xFFFF9C00  }
0x7d: {  	_ =	swait.ge [sflag:s0], $0x6400  }
0x7e: {  	[sflag:s0] =	ssyncset.done $0x0  }
0x7f: {  	[sflag:s0] =	ssyncadd.s32 $0xFFFF9C00  }
0x80: {  	_ =	sfence.sel $0x180000  }
0x81: {  	[bflag:$0x0] =	sbarrier.arrive $0xFFFF  }
0x82: {  	_ =	strace $0x90000047  }
0x83: {  	s0 =	stileid.u32;
	[bflag:$0x2] =	sbarrier.arrive $0xFFFF  }
0x84: {  	p0 =	sne.s32 s0, $0x0;
	s0 =	rddreg [dreg:$0x3]  }
0x85: {  	s0 =	sadd.s32 @!p0 $0x100000, s0  }
0x86: {  	[sflag:s0] =	ssyncadd.tile.s32 @!p0 $0x1;
	_ =	shalt  }
.Lfunc_end2:
_tile_overlayer_lowered:
.L_overlay_start_2:
0x87: {  	(tag) =	ssettag $0x2  }
0x88: {  	s0 =	rddreg [dreg:$0x0];
	s2 =	stileid.u32  }
0x89: {  	s1 =	rddreg [dreg:$0x1];
	p0 =	sne.s32 s2, $0x0  }
0x8a: {  	s3 =	rddreg [dreg:$0x2];
	[bflag:$0x3] =	sbarrier.arrive $0xFFFF;
	s2 =	simm.s32 @!p0 $0x1C09  }
0x8b: {  	[timem:s3], [sflag:s2] =	dma.local @!p0 [hbm:s0], s1  }
0x8c: {  	s0 =	simm.s32 @!p0 $0x9  }
0x8d: {  	_ =	swait.ge @!p0 [sflag:s0], s1  }
0x8e: {  	s1 =	ssub.s32 @!p0 $0x0, s1;
	[sflag:s0] =	ssyncset.done @!p0 $0x0  }
0x8f: {  	[sflag:s0] =	ssyncadd.s32 @!p0 s1  }
0x90: {  	[bflag:$0x3] =	sbarrier.arrive $0xFFFF  }
0x91: {  	_ =	shalt  }

</sc_bundles>
